<compile_context>
chip_gen: v7x
topology: tpu7x:2x2x1
jax: 0.10.2.dev20260603
libtpu: 0.0.44.dev20260713+nightly
codegen_flags: <defaults>
</compile_context>

<pallas_src>
import jax
import jax.numpy as jnp
from jax import lax
from jax.experimental import pallas as pl


def _conv(x, w, b, stride, pad):
    y = lax.conv_general_dilated(
        x, w, (stride, stride), [(pad, pad), (pad, pad)],
        dimension_numbers=('NCHW', 'OIHW', 'NCHW'))
    return y + b[None, :, None, None]


def _convT(x, w, b, stride, pad):
    kh, kw = w.shape[2], w.shape[3]
    w2 = jnp.transpose(w[:, :, ::-1, ::-1], (1, 0, 2, 3))
    y = lax.conv_general_dilated(
        x, w2, (1, 1),
        [(kh - 1 - pad, kh - 1 - pad), (kw - 1 - pad, kw - 1 - pad)],
        lhs_dilation=(stride, stride),
        dimension_numbers=('NCHW', 'OIHW', 'NCHW'))
    return y + b[None, :, None, None]


def _bn(x, g, b, eps=1e-5):
    m = jnp.mean(x, axis=(0, 2, 3), keepdims=True)
    v = jnp.var(x, axis=(0, 2, 3), keepdims=True)
    return (x - m) / jnp.sqrt(v + eps) * g[None, :, None, None] + b[None, :, None, None]


def _c2_kernel(cb_ref, c2_ref):
    cb = cb_ref[...]
    kb, dd = cb.shape
    t = jnp.transpose(cb)
    sq = t * t
    acc = jnp.zeros((kb,), jnp.float32)
    for j in range(dd):
        acc = acc + sq[j, :]
    c2_ref[...] = acc[None, None, :]


def _pallas_c2(codebook):
    k, d = codebook.shape
    kb = 1024
    out = pl.pallas_call(
        _c2_kernel,
        grid=(k // kb,),
        in_specs=[pl.BlockSpec((kb, d), lambda i: (i, 0))],
        out_specs=pl.BlockSpec((1, 1, kb), lambda i: (i, 0, 0)),
        out_shape=jax.ShapeDtypeStruct((k // kb, 1, kb), jnp.float32),
    )(codebook)
    return out.reshape(k)


def kernel(x, ew1, eb1, eg1, eB1, ew2, eb2, eg2, eB2, ew3, eb3, codebook,
           dw1, db1, dg1, dB1, dw2, db2, dg2, dB2, dw3, db3,
           commitment_cost=0.25):
    h = jax.nn.relu(_bn(_conv(x, ew1, eb1, 2, 1), eg1, eB1))
    h = jax.nn.relu(_bn(_conv(h, ew2, eb2, 2, 1), eg2, eB2))
    z = _conv(h, ew3, eb3, 1, 1)
    zp = jnp.transpose(z, (0, 2, 3, 1))
    d = zp.shape[-1]
    flat = zp.reshape(-1, d)
    c2 = _pallas_c2(codebook)
    dist = jnp.sum(flat ** 2, axis=1, keepdims=True) + c2 - 2.0 * (flat @ codebook.T)
    idx = jnp.argmin(dist, axis=1)
    quant = jnp.take(codebook, idx, axis=0).reshape(zp.shape)
    quant = jnp.transpose(quant, (0, 3, 1, 2))
    e_loss = jnp.mean((jax.lax.stop_gradient(quant) - z) ** 2)
    q_loss = jnp.mean((quant - jax.lax.stop_gradient(z)) ** 2)
    loss = q_loss + commitment_cost * e_loss
    quant_st = z + jax.lax.stop_gradient(quant - z)
    h = jax.nn.relu(_bn(_convT(quant_st, dw1, db1, 2, 1), dg1, dB1))
    h = jax.nn.relu(_bn(_convT(h, dw2, db2, 2, 1), dg2, dB2))
    recon = _convT(h, dw3, db3, 1, 1)
    return recon, loss

# --- scband reference (transcript-rebuilt; emitter-appended) ---
"""Pipeline reference for scband-vqvae-11879879544246 (READ-ONLY COPY).

The authoritative reference and input builder live on the scoring server;
editing this copy changes nothing except your own understanding.
"""

import jax, jax.numpy as jnp
import numpy as np
from jax import lax

def _conv(x, w, b, stride, pad):
    y = lax.conv_general_dilated(x, w, (stride, stride), [(pad, pad), (pad, pad)], dimension_numbers=('NCHW', 'OIHW', 'NCHW'))
    return y + b[None, :, None, None]

def _convT(x, w, b, stride, pad):
    kh, kw = w.shape[2], w.shape[3]
    w2 = jnp.transpose(w[:, :, ::-1, ::-1], (1, 0, 2, 3))
    y = lax.conv_general_dilated(x, w2, (1, 1), [(kh - 1 - pad, kh - 1 - pad), (kw - 1 - pad, kw - 1 - pad)], lhs_dilation=(stride, stride), dimension_numbers=('NCHW', 'OIHW', 'NCHW'))
    return y + b[None, :, None, None]

def _bn(x, g, b, eps=1e-5):
    m = jnp.mean(x, axis=(0, 2, 3), keepdims=True)
    v = jnp.var(x, axis=(0, 2, 3), keepdims=True)
    return (x - m) / jnp.sqrt(v + eps) * g[None, :, None, None] + b[None, :, None, None]

def _forward(x, ew1, eb1, eg1, eB1, ew2, eb2, eg2, eB2, ew3, eb3, codebook, dw1, db1, dg1, dB1, dw2, db2, dg2, dB2, dw3, db3, commitment_cost=0.25):
    h = jax.nn.relu(_bn(_conv(x, ew1, eb1, 2, 1), eg1, eB1))
    h = jax.nn.relu(_bn(_conv(h, ew2, eb2, 2, 1), eg2, eB2))
    z = _conv(h, ew3, eb3, 1, 1)
    zp = jnp.transpose(z, (0, 2, 3, 1))
    D = zp.shape[-1]
    flat = zp.reshape(-1, D)
    dist = jnp.sum(flat ** 2, axis=1, keepdims=True) + jnp.sum(codebook ** 2, axis=1) - 2.0 * (flat @ codebook.T)
    idx = jnp.argmin(dist, axis=1)
    quant = jnp.take(codebook, idx, axis=0).reshape(zp.shape)
    quant = jnp.transpose(quant, (0, 3, 1, 2))
    e_loss = jnp.mean((jax.lax.stop_gradient(quant) - z) ** 2)
    q_loss = jnp.mean((quant - jax.lax.stop_gradient(z)) ** 2)
    loss = q_loss + commitment_cost * e_loss
    quant_st = z + jax.lax.stop_gradient(quant - z)
    h = jax.nn.relu(_bn(_convT(quant_st, dw1, db1, 2, 1), dg1, dB1))
    h = jax.nn.relu(_bn(_convT(h, dw2, db2, 2, 1), dg2, dB2))
    recon = _convT(h, dw3, db3, 1, 1)
    return recon, loss

def setup_inputs(seed: int = 0):
    key = jax.random.key(seed)
    ks = jax.random.split(key, 16)
    B, C, H, W = 4, 3, 224, 224
    D, K = 64, 8192
    inp = {}
    inp['x'] = jax.random.normal(ks[0], (B, C, H, W), dtype=jnp.float32)
    inp['ew1'] = jax.random.normal(ks[1], (128, 3, 4, 4), dtype=jnp.float32) * 0.05
    inp['eb1'] = jnp.zeros((128,), jnp.float32)
    inp['eg1'] = jnp.ones((128,), jnp.float32)
    inp['eB1'] = jnp.zeros((128,), jnp.float32)
    inp['ew2'] = jax.random.normal(ks[2], (256, 128, 4, 4), dtype=jnp.float32) * 0.02
    inp['eb2'] = jnp.zeros((256,), jnp.float32)
    inp['eg2'] = jnp.ones((256,), jnp.float32)
    inp['eB2'] = jnp.zeros((256,), jnp.float32)
    inp['ew3'] = jax.random.normal(ks[3], (D, 256, 3, 3), dtype=jnp.float32) * 0.02
    inp['eb3'] = jnp.zeros((D,), jnp.float32)
    inp['codebook'] = jax.random.uniform(ks[4], (K, D), jnp.float32, -1.0 / K, 1.0 / K)
    inp['dw1'] = jax.random.normal(ks[5], (D, 256, 4, 4), dtype=jnp.float32) * 0.05
    inp['db1'] = jnp.zeros((256,), jnp.float32)
    inp['dg1'] = jnp.ones((256,), jnp.float32)
    inp['dB1'] = jnp.zeros((256,), jnp.float32)
    inp['dw2'] = jax.random.normal(ks[6], (256, 128, 4, 4), dtype=jnp.float32) * 0.02
    inp['db2'] = jnp.zeros((128,), jnp.float32)
    inp['dg2'] = jnp.ones((128,), jnp.float32)
    inp['dB2'] = jnp.zeros((128,), jnp.float32)
    inp['dw3'] = jax.random.normal(ks[7], (128, 3, 3, 3), dtype=jnp.float32) * 0.02
    inp['db3'] = jnp.zeros((3,), jnp.float32)
    return inp

def reference(x, ew1, eb1, eg1, eB1, ew2, eb2, eg2, eB2, ew3, eb3, codebook, dw1, db1, dg1, dB1, dw2, db2, dg2, dB2, dw3, db3):
    return _forward(x, ew1, eb1, eg1, eB1, ew2, eb2, eg2, eB2, ew3, eb3, codebook, dw1, db1, dg1, dB1, dw2, db2, dg2, dB2, dw3, db3)

if __name__ == "__main__":
    import jax
    _d = setup_inputs()
    print(jax.jit(kernel)(*tuple(_d.values())))

</pallas_src>

<mosaic_0001>
module attributes {stable_mosaic.version = 14 : i64} {
  func.func @_c2_kernel(%arg0: i32, %arg1: memref<1024x64xf32, #tpu.memory_space<vmem>>, %arg2: memref<1x1x1024xf32, #tpu.memory_space<vmem>>) attributes {dimension_semantics = [#tpu.dimension_semantics<arbitrary>], iteration_bounds = array<i64: 8>, scalar_prefetch = 0 : i64, scratch_operands = 0 : i64, tpu.core_type = #tpu.core_type<tc>, window_params = [{transform_indices = @transform_0, window_bounds = array<i64: 1024, 64>}, {transform_indices = @transform_1, window_bounds = array<i64: 1, 1, 1024>}]} {
    %get3A = arith.constant 0 : index
    %get3A_0 = arith.constant 0 : index
    %get3A_1 = vector.load %arg1[%get3A, %get3A_0] : memref<1024x64xf32, #tpu.memory_space<vmem>>, vector<1024x64xf32>
    %transpose3A = tpu.transpose %get3A_1, [1, 0] : vector<1024x64xf32> -> vector<64x1024xf32>
    %mul3A = arith.mulf %transpose3A, %transpose3A : vector<64x1024xf32>
    %broadcast_in_dim3A = arith.constant 0.000000e+00 : f32
    %broadcast_in_dim3A_2 = vector.broadcast %broadcast_in_dim3A : f32 to vector<1024xf32>
    %slice3A = vector.extract_strided_slice %mul3A {offsets = [0, 0], sizes = [1, 1024], strides = [1, 1]} : vector<64x1024xf32> to vector<1x1024xf32>
    %squeeze3A = vector.shape_cast %slice3A : vector<1x1024xf32> to vector<1024xf32>
    %add3A = arith.addf %broadcast_in_dim3A_2, %squeeze3A : vector<1024xf32>
    %slice3A_3 = vector.extract_strided_slice %mul3A {offsets = [1, 0], sizes = [1, 1024], strides = [1, 1]} : vector<64x1024xf32> to vector<1x1024xf32>
    %squeeze3A_4 = vector.shape_cast %slice3A_3 : vector<1x1024xf32> to vector<1024xf32>
    %add3A_5 = arith.addf %add3A, %squeeze3A_4 : vector<1024xf32>
    %slice3A_6 = vector.extract_strided_slice %mul3A {offsets = [2, 0], sizes = [1, 1024], strides = [1, 1]} : vector<64x1024xf32> to vector<1x1024xf32>
    %squeeze3A_7 = vector.shape_cast %slice3A_6 : vector<1x1024xf32> to vector<1024xf32>
    %add3A_8 = arith.addf %add3A_5, %squeeze3A_7 : vector<1024xf32>
    %slice3A_9 = vector.extract_strided_slice %mul3A {offsets = [3, 0], sizes = [1, 1024], strides = [1, 1]} : vector<64x1024xf32> to vector<1x1024xf32>
    %squeeze3A_10 = vector.shape_cast %slice3A_9 : vector<1x1024xf32> to vector<1024xf32>
    %add3A_11 = arith.addf %add3A_8, %squeeze3A_10 : vector<1024xf32>
    %slice3A_12 = vector.extract_strided_slice %mul3A {offsets = [4, 0], sizes = [1, 1024], strides = [1, 1]} : vector<64x1024xf32> to vector<1x1024xf32>
    %squeeze3A_13 = vector.shape_cast %slice3A_12 : vector<1x1024xf32> to vector<1024xf32>
    %add3A_14 = arith.addf %add3A_11, %squeeze3A_13 : vector<1024xf32>
    %slice3A_15 = vector.extract_strided_slice %mul3A {offsets = [5, 0], sizes = [1, 1024], strides = [1, 1]} : vector<64x1024xf32> to vector<1x1024xf32>
    %squeeze3A_16 = vector.shape_cast %slice3A_15 : vector<1x1024xf32> to vector<1024xf32>
    %add3A_17 = arith.addf %add3A_14, %squeeze3A_16 : vector<1024xf32>
    %slice3A_18 = vector.extract_strided_slice %mul3A {offsets = [6, 0], sizes = [1, 1024], strides = [1, 1]} : vector<64x1024xf32> to vector<1x1024xf32>
    %squeeze3A_19 = vector.shape_cast %slice3A_18 : vector<1x1024xf32> to vector<1024xf32>
    %add3A_20 = arith.addf %add3A_17, %squeeze3A_19 : vector<1024xf32>
    %slice3A_21 = vector.extract_strided_slice %mul3A {offsets = [7, 0], sizes = [1, 1024], strides = [1, 1]} : vector<64x1024xf32> to vector<1x1024xf32>
    %squeeze3A_22 = vector.shape_cast %slice3A_21 : vector<1x1024xf32> to vector<1024xf32>
    %add3A_23 = arith.addf %add3A_20, %squeeze3A_22 : vector<1024xf32>
    %slice3A_24 = vector.extract_strided_slice %mul3A {offsets = [8, 0], sizes = [1, 1024], strides = [1, 1]} : vector<64x1024xf32> to vector<1x1024xf32>
    %squeeze3A_25 = vector.shape_cast %slice3A_24 : vector<1x1024xf32> to vector<1024xf32>
    %add3A_26 = arith.addf %add3A_23, %squeeze3A_25 : vector<1024xf32>
    %slice3A_27 = vector.extract_strided_slice %mul3A {offsets = [9, 0], sizes = [1, 1024], strides = [1, 1]} : vector<64x1024xf32> to vector<1x1024xf32>
    %squeeze3A_28 = vector.shape_cast %slice3A_27 : vector<1x1024xf32> to vector<1024xf32>
    %add3A_29 = arith.addf %add3A_26, %squeeze3A_28 : vector<1024xf32>
    %slice3A_30 = vector.extract_strided_slice %mul3A {offsets = [10, 0], sizes = [1, 1024], strides = [1, 1]} : vector<64x1024xf32> to vector<1x1024xf32>
    %squeeze3A_31 = vector.shape_cast %slice3A_30 : vector<1x1024xf32> to vector<1024xf32>
    %add3A_32 = arith.addf %add3A_29, %squeeze3A_31 : vector<1024xf32>
    %slice3A_33 = vector.extract_strided_slice %mul3A {offsets = [11, 0], sizes = [1, 1024], strides = [1, 1]} : vector<64x1024xf32> to vector<1x1024xf32>
    %squeeze3A_34 = vector.shape_cast %slice3A_33 : vector<1x1024xf32> to vector<1024xf32>
    %add3A_35 = arith.addf %add3A_32, %squeeze3A_34 : vector<1024xf32>
    %slice3A_36 = vector.extract_strided_slice %mul3A {offsets = [12, 0], sizes = [1, 1024], strides = [1, 1]} : vector<64x1024xf32> to vector<1x1024xf32>
    %squeeze3A_37 = vector.shape_cast %slice3A_36 : vector<1x1024xf32> to vector<1024xf32>
    %add3A_38 = arith.addf %add3A_35, %squeeze3A_37 : vector<1024xf32>
    %slice3A_39 = vector.extract_strided_slice %mul3A {offsets = [13, 0], sizes = [1, 1024], strides = [1, 1]} : vector<64x1024xf32> to vector<1x1024xf32>
    %squeeze3A_40 = vector.shape_cast %slice3A_39 : vector<1x1024xf32> to vector<1024xf32>
    %add3A_41 = arith.addf %add3A_38, %squeeze3A_40 : vector<1024xf32>
    %slice3A_42 = vector.extract_strided_slice %mul3A {offsets = [14, 0], sizes = [1, 1024], strides = [1, 1]} : vector<64x1024xf32> to vector<1x1024xf32>
    %squeeze3A_43 = vector.shape_cast %slice3A_42 : vector<1x1024xf32> to vector<1024xf32>
    %add3A_44 = arith.addf %add3A_41, %squeeze3A_43 : vector<1024xf32>
    %slice3A_45 = vector.extract_strided_slice %mul3A {offsets = [15, 0], sizes = [1, 1024], strides = [1, 1]} : vector<64x1024xf32> to vector<1x1024xf32>
    %squeeze3A_46 = vector.shape_cast %slice3A_45 : vector<1x1024xf32> to vector<1024xf32>
    %add3A_47 = arith.addf %add3A_44, %squeeze3A_46 : vector<1024xf32>
    %slice3A_48 = vector.extract_strided_slice %mul3A {offsets = [16, 0], sizes = [1, 1024], strides = [1, 1]} : vector<64x1024xf32> to vector<1x1024xf32>
    %squeeze3A_49 = vector.shape_cast %slice3A_48 : vector<1x1024xf32> to vector<1024xf32>
    %add3A_50 = arith.addf %add3A_47, %squeeze3A_49 : vector<1024xf32>
    %slice3A_51 = vector.extract_strided_slice %mul3A {offsets = [17, 0], sizes = [1, 1024], strides = [1, 1]} : vector<64x1024xf32> to vector<1x1024xf32>
    %squeeze3A_52 = vector.shape_cast %slice3A_51 : vector<1x1024xf32> to vector<1024xf32>
    %add3A_53 = arith.addf %add3A_50, %squeeze3A_52 : vector<1024xf32>
    %slice3A_54 = vector.extract_strided_slice %mul3A {offsets = [18, 0], sizes = [1, 1024], strides = [1, 1]} : vector<64x1024xf32> to vector<1x1024xf32>
    %squeeze3A_55 = vector.shape_cast %slice3A_54 : vector<1x1024xf32> to vector<1024xf32>
    %add3A_56 = arith.addf %add3A_53, %squeeze3A_55 : vector<1024xf32>
    %slice3A_57 = vector.extract_strided_slice %mul3A {offsets = [19, 0], sizes = [1, 1024], strides = [1, 1]} : vector<64x1024xf32> to vector<1x1024xf32>
    %squeeze3A_58 = vector.shape_cast %slice3A_57 : vector<1x1024xf32> to vector<1024xf32>
    %add3A_59 = arith.addf %add3A_56, %squeeze3A_58 : vector<1024xf32>
    %slice3A_60 = vector.extract_strided_slice %mul3A {offsets = [20, 0], sizes = [1, 1024], strides = [1, 1]} : vector<64x1024xf32> to vector<1x1024xf32>
    %squeeze3A_61 = vector.shape_cast %slice3A_60 : vector<1x1024xf32> to vector<1024xf32>
    %add3A_62 = arith.addf %add3A_59, %squeeze3A_61 : vector<1024xf32>
    %slice3A_63 = vector.extract_strided_slice %mul3A {offsets = [21, 0], sizes = [1, 1024], strides = [1, 1]} : vector<64x1024xf32> to vector<1x1024xf32>
    %squeeze3A_64 = vector.shape_cast %slice3A_63 : vector<1x1024xf32> to vector<1024xf32>
    %add3A_65 = arith.addf %add3A_62, %squeeze3A_64 : vector<1024xf32>
    %slice3A_66 = vector.extract_strided_slice %mul3A {offsets = [22, 0], sizes = [1, 1024], strides = [1, 1]} : vector<64x1024xf32> to vector<1x1024xf32>
    %squeeze3A_67 = vector.shape_cast %slice3A_66 : vector<1x1024xf32> to vector<1024xf32>
    %add3A_68 = arith.addf %add3A_65, %squeeze3A_67 : vector<1024xf32>
    %slice3A_69 = vector.extract_strided_slice %mul3A {offsets = [23, 0], sizes = [1, 1024], strides = [1, 1]} : vector<64x1024xf32> to vector<1x1024xf32>
    %squeeze3A_70 = vector.shape_cast %slice3A_69 : vector<1x1024xf32> to vector<1024xf32>
    %add3A_71 = arith.addf %add3A_68, %squeeze3A_70 : vector<1024xf32>
    %slice3A_72 = vector.extract_strided_slice %mul3A {offsets = [24, 0], sizes = [1, 1024], strides = [1, 1]} : vector<64x1024xf32> to vector<1x1024xf32>
    %squeeze3A_73 = vector.shape_cast %slice3A_72 : vector<1x1024xf32> to vector<1024xf32>
    %add3A_74 = arith.addf %add3A_71, %squeeze3A_73 : vector<1024xf32>
    %slice3A_75 = vector.extract_strided_slice %mul3A {offsets = [25, 0], sizes = [1, 1024], strides = [1, 1]} : vector<64x1024xf32> to vector<1x1024xf32>
    %squeeze3A_76 = vector.shape_cast %slice3A_75 : vector<1x1024xf32> to vector<1024xf32>
    %add3A_77 = arith.addf %add3A_74, %squeeze3A_76 : vector<1024xf32>
    %slice3A_78 = vector.extract_strided_slice %mul3A {offsets = [26, 0], sizes = [1, 1024], strides = [1, 1]} : vector<64x1024xf32> to vector<1x1024xf32>
    %squeeze3A_79 = vector.shape_cast %slice3A_78 : vector<1x1024xf32> to vector<1024xf32>
    %add3A_80 = arith.addf %add3A_77, %squeeze3A_79 : vector<1024xf32>
    %slice3A_81 = vector.extract_strided_slice %mul3A {offsets = [27, 0], sizes = [1, 1024], strides = [1, 1]} : vector<64x1024xf32> to vector<1x1024xf32>
    %squeeze3A_82 = vector.shape_cast %slice3A_81 : vector<1x1024xf32> to vector<1024xf32>
    %add3A_83 = arith.addf %add3A_80, %squeeze3A_82 : vector<1024xf32>
    %slice3A_84 = vector.extract_strided_slice %mul3A {offsets = [28, 0], sizes = [1, 1024], strides = [1, 1]} : vector<64x1024xf32> to vector<1x1024xf32>
    %squeeze3A_85 = vector.shape_cast %slice3A_84 : vector<1x1024xf32> to vector<1024xf32>
    %add3A_86 = arith.addf %add3A_83, %squeeze3A_85 : vector<1024xf32>
    %slice3A_87 = vector.extract_strided_slice %mul3A {offsets = [29, 0], sizes = [1, 1024], strides = [1, 1]} : vector<64x1024xf32> to vector<1x1024xf32>
    %squeeze3A_88 = vector.shape_cast %slice3A_87 : vector<1x1024xf32> to vector<1024xf32>
    %add3A_89 = arith.addf %add3A_86, %squeeze3A_88 : vector<1024xf32>
    %slice3A_90 = vector.extract_strided_slice %mul3A {offsets = [30, 0], sizes = [1, 1024], strides = [1, 1]} : vector<64x1024xf32> to vector<1x1024xf32>
    %squeeze3A_91 = vector.shape_cast %slice3A_90 : vector<1x1024xf32> to vector<1024xf32>
    %add3A_92 = arith.addf %add3A_89, %squeeze3A_91 : vector<1024xf32>
    %slice3A_93 = vector.extract_strided_slice %mul3A {offsets = [31, 0], sizes = [1, 1024], strides = [1, 1]} : vector<64x1024xf32> to vector<1x1024xf32>
    %squeeze3A_94 = vector.shape_cast %slice3A_93 : vector<1x1024xf32> to vector<1024xf32>
    %add3A_95 = arith.addf %add3A_92, %squeeze3A_94 : vector<1024xf32>
    %slice3A_96 = vector.extract_strided_slice %mul3A {offsets = [32, 0], sizes = [1, 1024], strides = [1, 1]} : vector<64x1024xf32> to vector<1x1024xf32>
    %squeeze3A_97 = vector.shape_cast %slice3A_96 : vector<1x1024xf32> to vector<1024xf32>
    %add3A_98 = arith.addf %add3A_95, %squeeze3A_97 : vector<1024xf32>
    %slice3A_99 = vector.extract_strided_slice %mul3A {offsets = [33, 0], sizes = [1, 1024], strides = [1, 1]} : vector<64x1024xf32> to vector<1x1024xf32>
    %squeeze3A_100 = vector.shape_cast %slice3A_99 : vector<1x1024xf32> to vector<1024xf32>
    %add3A_101 = arith.addf %add3A_98, %squeeze3A_100 : vector<1024xf32>
    %slice3A_102 = vector.extract_strided_slice %mul3A {offsets = [34, 0], sizes = [1, 1024], strides = [1, 1]} : vector<64x1024xf32> to vector<1x1024xf32>
    %squeeze3A_103 = vector.shape_cast %slice3A_102 : vector<1x1024xf32> to vector<1024xf32>
    %add3A_104 = arith.addf %add3A_101, %squeeze3A_103 : vector<1024xf32>
    %slice3A_105 = vector.extract_strided_slice %mul3A {offsets = [35, 0], sizes = [1, 1024], strides = [1, 1]} : vector<64x1024xf32> to vector<1x1024xf32>
    %squeeze3A_106 = vector.shape_cast %slice3A_105 : vector<1x1024xf32> to vector<1024xf32>
    %add3A_107 = arith.addf %add3A_104, %squeeze3A_106 : vector<1024xf32>
    %slice3A_108 = vector.extract_strided_slice %mul3A {offsets = [36, 0], sizes = [1, 1024], strides = [1, 1]} : vector<64x1024xf32> to vector<1x1024xf32>
    %squeeze3A_109 = vector.shape_cast %slice3A_108 : vector<1x1024xf32> to vector<1024xf32>
    %add3A_110 = arith.addf %add3A_107, %squeeze3A_109 : vector<1024xf32>
    %slice3A_111 = vector.extract_strided_slice %mul3A {offsets = [37, 0], sizes = [1, 1024], strides = [1, 1]} : vector<64x1024xf32> to vector<1x1024xf32>
    %squeeze3A_112 = vector.shape_cast %slice3A_111 : vector<1x1024xf32> to vector<1024xf32>
    %add3A_113 = arith.addf %add3A_110, %squeeze3A_112 : vector<1024xf32>
    %slice3A_114 = vector.extract_strided_slice %mul3A {offsets = [38, 0], sizes = [1, 1024], strides = [1, 1]} : vector<64x1024xf32> to vector<1x1024xf32>
    %squeeze3A_115 = vector.shape_cast %slice3A_114 : vector<1x1024xf32> to vector<1024xf32>
    %add3A_116 = arith.addf %add3A_113, %squeeze3A_115 : vector<1024xf32>
    %slice3A_117 = vector.extract_strided_slice %mul3A {offsets = [39, 0], sizes = [1, 1024], strides = [1, 1]} : vector<64x1024xf32> to vector<1x1024xf32>
    %squeeze3A_118 = vector.shape_cast %slice3A_117 : vector<1x1024xf32> to vector<1024xf32>
    %add3A_119 = arith.addf %add3A_116, %squeeze3A_118 : vector<1024xf32>
    %slice3A_120 = vector.extract_strided_slice %mul3A {offsets = [40, 0], sizes = [1, 1024], strides = [1, 1]} : vector<64x1024xf32> to vector<1x1024xf32>
    %squeeze3A_121 = vector.shape_cast %slice3A_120 : vector<1x1024xf32> to vector<1024xf32>
    %add3A_122 = arith.addf %add3A_119, %squeeze3A_121 : vector<1024xf32>
    %slice3A_123 = vector.extract_strided_slice %mul3A {offsets = [41, 0], sizes = [1, 1024], strides = [1, 1]} : vector<64x1024xf32> to vector<1x1024xf32>
    %squeeze3A_124 = vector.shape_cast %slice3A_123 : vector<1x1024xf32> to vector<1024xf32>
    %add3A_125 = arith.addf %add3A_122, %squeeze3A_124 : vector<1024xf32>
    %slice3A_126 = vector.extract_strided_slice %mul3A {offsets = [42, 0], sizes = [1, 1024], strides = [1, 1]} : vector<64x1024xf32> to vector<1x1024xf32>
    %squeeze3A_127 = vector.shape_cast %slice3A_126 : vector<1x1024xf32> to vector<1024xf32>
    %add3A_128 = arith.addf %add3A_125, %squeeze3A_127 : vector<1024xf32>
    %slice3A_129 = vector.extract_strided_slice %mul3A {offsets = [43, 0], sizes = [1, 1024], strides = [1, 1]} : vector<64x1024xf32> to vector<1x1024xf32>
    %squeeze3A_130 = vector.shape_cast %slice3A_129 : vector<1x1024xf32> to vector<1024xf32>
    %add3A_131 = arith.addf %add3A_128, %squeeze3A_130 : vector<1024xf32>
    %slice3A_132 = vector.extract_strided_slice %mul3A {offsets = [44, 0], sizes = [1, 1024], strides = [1, 1]} : vector<64x1024xf32> to vector<1x1024xf32>
    %squeeze3A_133 = vector.shape_cast %slice3A_132 : vector<1x1024xf32> to vector<1024xf32>
    %add3A_134 = arith.addf %add3A_131, %squeeze3A_133 : vector<1024xf32>
    %slice3A_135 = vector.extract_strided_slice %mul3A {offsets = [45, 0], sizes = [1, 1024], strides = [1, 1]} : vector<64x1024xf32> to vector<1x1024xf32>
    %squeeze3A_136 = vector.shape_cast %slice3A_135 : vector<1x1024xf32> to vector<1024xf32>
    %add3A_137 = arith.addf %add3A_134, %squeeze3A_136 : vector<1024xf32>
    %slice3A_138 = vector.extract_strided_slice %mul3A {offsets = [46, 0], sizes = [1, 1024], strides = [1, 1]} : vector<64x1024xf32> to vector<1x1024xf32>
    %squeeze3A_139 = vector.shape_cast %slice3A_138 : vector<1x1024xf32> to vector<1024xf32>
    %add3A_140 = arith.addf %add3A_137, %squeeze3A_139 : vector<1024xf32>
    %slice3A_141 = vector.extract_strided_slice %mul3A {offsets = [47, 0], sizes = [1, 1024], strides = [1, 1]} : vector<64x1024xf32> to vector<1x1024xf32>
    %squeeze3A_142 = vector.shape_cast %slice3A_141 : vector<1x1024xf32> to vector<1024xf32>
    %add3A_143 = arith.addf %add3A_140, %squeeze3A_142 : vector<1024xf32>
    %slice3A_144 = vector.extract_strided_slice %mul3A {offsets = [48, 0], sizes = [1, 1024], strides = [1, 1]} : vector<64x1024xf32> to vector<1x1024xf32>
    %squeeze3A_145 = vector.shape_cast %slice3A_144 : vector<1x1024xf32> to vector<1024xf32>
    %add3A_146 = arith.addf %add3A_143, %squeeze3A_145 : vector<1024xf32>
    %slice3A_147 = vector.extract_strided_slice %mul3A {offsets = [49, 0], sizes = [1, 1024], strides = [1, 1]} : vector<64x1024xf32> to vector<1x1024xf32>
    %squeeze3A_148 = vector.shape_cast %slice3A_147 : vector<1x1024xf32> to vector<1024xf32>
    %add3A_149 = arith.addf %add3A_146, %squeeze3A_148 : vector<1024xf32>
    %slice3A_150 = vector.extract_strided_slice %mul3A {offsets = [50, 0], sizes = [1, 1024], strides = [1, 1]} : vector<64x1024xf32> to vector<1x1024xf32>
    %squeeze3A_151 = vector.shape_cast %slice3A_150 : vector<1x1024xf32> to vector<1024xf32>
    %add3A_152 = arith.addf %add3A_149, %squeeze3A_151 : vector<1024xf32>
    %slice3A_153 = vector.extract_strided_slice %mul3A {offsets = [51, 0], sizes = [1, 1024], strides = [1, 1]} : vector<64x1024xf32> to vector<1x1024xf32>
    %squeeze3A_154 = vector.shape_cast %slice3A_153 : vector<1x1024xf32> to vector<1024xf32>
    %add3A_155 = arith.addf %add3A_152, %squeeze3A_154 : vector<1024xf32>
    %slice3A_156 = vector.extract_strided_slice %mul3A {offsets = [52, 0], sizes = [1, 1024], strides = [1, 1]} : vector<64x1024xf32> to vector<1x1024xf32>
    %squeeze3A_157 = vector.shape_cast %slice3A_156 : vector<1x1024xf32> to vector<1024xf32>
    %add3A_158 = arith.addf %add3A_155, %squeeze3A_157 : vector<1024xf32>
    %slice3A_159 = vector.extract_strided_slice %mul3A {offsets = [53, 0], sizes = [1, 1024], strides = [1, 1]} : vector<64x1024xf32> to vector<1x1024xf32>
    %squeeze3A_160 = vector.shape_cast %slice3A_159 : vector<1x1024xf32> to vector<1024xf32>
    %add3A_161 = arith.addf %add3A_158, %squeeze3A_160 : vector<1024xf32>
    %slice3A_162 = vector.extract_strided_slice %mul3A {offsets = [54, 0], sizes = [1, 1024], strides = [1, 1]} : vector<64x1024xf32> to vector<1x1024xf32>
    %squeeze3A_163 = vector.shape_cast %slice3A_162 : vector<1x1024xf32> to vector<1024xf32>
    %add3A_164 = arith.addf %add3A_161, %squeeze3A_163 : vector<1024xf32>
    %slice3A_165 = vector.extract_strided_slice %mul3A {offsets = [55, 0], sizes = [1, 1024], strides = [1, 1]} : vector<64x1024xf32> to vector<1x1024xf32>
    %squeeze3A_166 = vector.shape_cast %slice3A_165 : vector<1x1024xf32> to vector<1024xf32>
    %add3A_167 = arith.addf %add3A_164, %squeeze3A_166 : vector<1024xf32>
    %slice3A_168 = vector.extract_strided_slice %mul3A {offsets = [56, 0], sizes = [1, 1024], strides = [1, 1]} : vector<64x1024xf32> to vector<1x1024xf32>
    %squeeze3A_169 = vector.shape_cast %slice3A_168 : vector<1x1024xf32> to vector<1024xf32>
    %add3A_170 = arith.addf %add3A_167, %squeeze3A_169 : vector<1024xf32>
    %slice3A_171 = vector.extract_strided_slice %mul3A {offsets = [57, 0], sizes = [1, 1024], strides = [1, 1]} : vector<64x1024xf32> to vector<1x1024xf32>
    %squeeze3A_172 = vector.shape_cast %slice3A_171 : vector<1x1024xf32> to vector<1024xf32>
    %add3A_173 = arith.addf %add3A_170, %squeeze3A_172 : vector<1024xf32>
    %slice3A_174 = vector.extract_strided_slice %mul3A {offsets = [58, 0], sizes = [1, 1024], strides = [1, 1]} : vector<64x1024xf32> to vector<1x1024xf32>
    %squeeze3A_175 = vector.shape_cast %slice3A_174 : vector<1x1024xf32> to vector<1024xf32>
    %add3A_176 = arith.addf %add3A_173, %squeeze3A_175 : vector<1024xf32>
    %slice3A_177 = vector.extract_strided_slice %mul3A {offsets = [59, 0], sizes = [1, 1024], strides = [1, 1]} : vector<64x1024xf32> to vector<1x1024xf32>
    %squeeze3A_178 = vector.shape_cast %slice3A_177 : vector<1x1024xf32> to vector<1024xf32>
    %add3A_179 = arith.addf %add3A_176, %squeeze3A_178 : vector<1024xf32>
    %slice3A_180 = vector.extract_strided_slice %mul3A {offsets = [60, 0], sizes = [1, 1024], strides = [1, 1]} : vector<64x1024xf32> to vector<1x1024xf32>
    %squeeze3A_181 = vector.shape_cast %slice3A_180 : vector<1x1024xf32> to vector<1024xf32>
    %add3A_182 = arith.addf %add3A_179, %squeeze3A_181 : vector<1024xf32>
    %slice3A_183 = vector.extract_strided_slice %mul3A {offsets = [61, 0], sizes = [1, 1024], strides = [1, 1]} : vector<64x1024xf32> to vector<1x1024xf32>
    %squeeze3A_184 = vector.shape_cast %slice3A_183 : vector<1x1024xf32> to vector<1024xf32>
    %add3A_185 = arith.addf %add3A_182, %squeeze3A_184 : vector<1024xf32>
    %slice3A_186 = vector.extract_strided_slice %mul3A {offsets = [62, 0], sizes = [1, 1024], strides = [1, 1]} : vector<64x1024xf32> to vector<1x1024xf32>
    %squeeze3A_187 = vector.shape_cast %slice3A_186 : vector<1x1024xf32> to vector<1024xf32>
    %add3A_188 = arith.addf %add3A_185, %squeeze3A_187 : vector<1024xf32>
    %slice3A_189 = vector.extract_strided_slice %mul3A {offsets = [63, 0], sizes = [1, 1024], strides = [1, 1]} : vector<64x1024xf32> to vector<1x1024xf32>
    %squeeze3A_190 = vector.shape_cast %slice3A_189 : vector<1x1024xf32> to vector<1024xf32>
    %add3A_191 = arith.addf %add3A_188, %squeeze3A_190 : vector<1024xf32>
    %broadcast_in_dim3A_192 = vector.shape_cast %add3A_191 : vector<1024xf32> to vector<1x1x1024xf32>
    %swap3A = arith.constant 0 : index
    %swap3A_193 = arith.constant 0 : index
    %swap3A_194 = arith.constant 0 : index
    %swap3A_195 = vector.load %arg2[%swap3A, %swap3A_193, %swap3A_194] : memref<1x1x1024xf32, #tpu.memory_space<vmem>>, vector<1x1x1024xf32>
    tpu.vector_store %arg2[%swap3A, %swap3A_193, %swap3A_194], %broadcast_in_dim3A_192 {strides = array<i32>} : memref<1x1x1024xf32, #tpu.memory_space<vmem>>, vector<1x1x1024xf32>,
    return
  }
  func.func @transform_0(%arg0: i32) -> (i32, i32) {
    %c0_i32 = arith.constant 0 : i32
    %c0_i32_0 = arith.constant 0 : i32
    return %arg0, %c0_i32 : i32, i32
  }
  func.func @transform_1(%arg0: i32) -> (i32, i32, i32) {
    %c0_i32 = arith.constant 0 : i32
    %c0_i32_0 = arith.constant 0 : i32
    %c0_i32_1 = arith.constant 0 : i32
    return %arg0, %c0_i32, %c0_i32_0 : i32, i32, i32
  }
}

</mosaic_0001>

<sc_bundles>
// kernel: gather_offload_async_start
scs
__scs_entry_jumppad:
0x0: {  	(pc) =	sbr.rel $0x88, $3  }
0x1: {  	(tag) =	ssettag $0x0;
	lr =	simm.s32 $0x1  }
0x2: {  	[smem:$0x3F8B] =	sst lr;
	_ =	strace $0xD0000000  }
0x3: {  	_ = 	snop  }
0x4: {  	_ = 	snop  }
0x5: {  	_ = 	snop  }
0x6: {  	_ = 	snop  }
0x7: {  	_ = 	snop  }
__scs_overlays_trampoline_lowered:
0x8: {  	[smem:$0x3F9A] =	sst s0  }
0x9: {  	[smem:$0x3F9B] =	sst s1  }
0xa: {  	[smem:$0x3F9C] =	sst s2  }
0xb: {  	[smem:$0x3F9D] =	sst s3  }
0xc: {  	[smem:$0x3F9E] =	sst s4  }
0xd: {  	[smem:$0x3F9F] =	sst s5  }
0xe: {  	[smem:$0x3FA0] =	sst s6  }
0xf: {  	[smem:$0x3FA1] =	sst s7  }
0x10: {  	[smem:$0x3FA2] =	sst s8  }
0x11: {  	[smem:$0x3FA3] =	sst s9;
	s0 =	simm.s32 @!p0 $0x0  }
0x12: {  	s1 =	sld [smem:$0x3F89];
	s0 =	simm.s32 @p0 $0x1  }
0x13: {  	[smem:$0x3FA4] =	sst s0;
	s0 =	simm.s32 @!p1 $0x0  }
0x14: {  	s2 =	sld [smem:$0x3F88];
	s0 =	simm.s32 @p1 $0x1  }
0x15: {  	[smem:$0x3FA5] =	sst s0;
	s0 =	simm.s32 @!p2 $0x0  }
0x16: {  	s3 =	sld [smem:$0x3FDB];
	s0 =	simm.s32 @p2 $0x1  }
0x17: {  	s4 =	simm.s32 $0x1BF5;
	[smem:$0x3FA7] =	sst s0  }
0x18: {  	s0 =	sld [smem:$0x3F8A];
	_ =	swait.ge [sflag:s4], $0x0  }
0x19: {  	s7 =	sld [smem:$0x3F8B]  }
0x1a: {  	s8 =	sadd.s32 $0xFFFFE003, lr  }
0x1b: {  	s9 =	sadd.s32 $0xFFFFFEF7, lr;
	s5 =	simm.s32 $0xFFFFFFFF;
	p2 =	slt.u32 s8, $0xFFFFF086  }
0x1c: {  	p1 =	slt.u32 s9, $0xF7A;
	s5 =	simm.s32 @!p2 $0x0  }
0x1d: {  	s5 =	simm.s32 @p1 $0x1;
	p0 =	seq.s32 s7, s2  }
0x1e: {  	s7 =	smul.u32 @!p0 $0xF7A, s2;
	p2 =	seq.s32 @!p0 s5, $0x0  }
0x1f: {  	s9 =	smul.u32 $0xF7A, s1;
	s8 =	simm.s32 @!p0 $0x1BF5;
	p2 =	por !p2, p0  }
0x20: {  	[sflag:s8] =	ssyncset.s32 @!p0 $0xFFFFF086;
	s6 =	sadd.s32 @!p0 s3, s7;
	s7 =	simm.s32 @!p0 $0x108  }
0x21: {  	s3 =	sadd.s32 s3, s9;
	s6 =	sadd.s32 @!p0 $0x88, s6;
	s7 =	simm.s32 @p2 $0x1082  }
0x22: {  	[simem:s7], [sflag:s8] =	dma.local @!p0 [hbm:s6], $0xF7A  }
0x23: {  	s9 =	sor.u32 $0xD0000000, s2;
	s6 =	simm.s32 $0x108;
	_ =	swait.ge @!p0 [sflag:s8], $0x0  }
0x24: {  	s3 =	sadd.s32 $0x88, s3;
	s6 =	simm.s32 @!p1 $0x1082;
	[sflag:s4] =	ssyncset.s32 $0xFFFFF086  }
0x25: {  	[simem:s6], [sflag:s4] =	dma.local [hbm:s3], $0xF7A  }
0x26: {  	[smem:$0x3F8B] =	sst s1;
	(tag) =	ssettag s2;
	_ =	strace s9  }
0x27: {  	s1 =	sld [smem:$0x3F9B]  }
0x28: {  	s2 =	sld [smem:$0x3F9C]  }
0x29: {  	s4 =	sld [smem:$0x3F9E]  }
0x2a: {  	p0 =	seq.s32 s5, $0x0;
	s5 =	sld [smem:$0x3F9F]  }
0x2b: {  	s6 =	sld [smem:$0x3FA0]  }
0x2c: {  	s7 =	sld [smem:$0x3FA1]  }
0x2d: {  	s3 =	simm.s32 $0x108;
	s8 =	sld [smem:$0x3FA2]  }
0x2e: {  	s3 =	simm.s32 @!p0 $0x1082;
	s9 =	sld [smem:$0x3FA3]  }
0x2f: {  	lr =	sadd.s32 s0, s3;
	s0 =	sld [smem:$0x3F9A]  }
0x30: {  	s3 =	sld [smem:$0x3F9D]  }
0x31: {  	[smem:$0x3FA6] =	sst s10  }
0x32: {  	s10 =	sld [smem:$0x3FA4];
	_ =	sdelay $0x3  }
0x33: {  	p0 =	seq.s32 s10, $0x1;
	s10 =	sld [smem:$0x3FA6];
	_ =	sdelay $0x3  }
0x34: {  	[smem:$0x3FA6] =	sst s10  }
0x35: {  	s10 =	sld [smem:$0x3FA5];
	_ =	sdelay $0x3  }
0x36: {  	p1 =	seq.s32 s10, $0x1;
	s10 =	sld [smem:$0x3FA6];
	_ =	sdelay $0x3  }
0x37: {  	[smem:$0x3FA6] =	sst s10  }
0x38: {  	s10 =	sld [smem:$0x3FA7]  }
0x39: {  	_ = 	snop;
	(pc) =	sbr.ind lr, $3  }
0x3a: {  	_ = 	snop  }
0x3b: {  	_ = 	snop  }
0x3c: {  	p2 =	seq.s32 s10, $0x1;
	s10 =	sld [smem:$0x3FA6]  }
0x3d: {  	_ =	shalt  }
0x3e: {  	_ =	shalt  }
0x3f: {  	_ =	shalt  }
0x40: {  	_ =	shalt  }
0x41: {  	_ =	shalt  }
0x42: {  	_ =	shalt  }
0x43: {  	_ =	shalt  }
0x44: {  	_ =	shalt  }
0x45: {  	_ =	shalt  }
0x46: {  	_ =	shalt  }
0x47: {  	_ =	shalt  }
0x48: {  	_ =	shalt  }
0x49: {  	_ =	shalt  }
0x4a: {  	_ =	shalt  }
0x4b: {  	_ =	shalt  }
0x4c: {  	_ =	shalt  }
0x4d: {  	_ =	shalt  }
0x4e: {  	_ =	shalt  }
0x4f: {  	_ =	shalt  }
0x50: {  	_ =	shalt  }
0x51: {  	_ =	shalt  }
0x52: {  	_ =	shalt  }
0x53: {  	_ =	shalt  }
0x54: {  	_ =	shalt  }
0x55: {  	_ =	shalt  }
0x56: {  	_ =	shalt  }
0x57: {  	_ =	shalt  }
0x58: {  	_ =	shalt  }
0x59: {  	_ =	shalt  }
0x5a: {  	_ =	shalt  }
0x5b: {  	_ =	shalt  }
0x5c: {  	_ =	shalt  }
0x5d: {  	_ =	shalt  }
0x5e: {  	_ =	shalt  }
0x5f: {  	_ =	shalt  }
0x60: {  	_ =	shalt  }
0x61: {  	_ =	shalt  }
0x62: {  	_ =	shalt  }
0x63: {  	_ =	shalt  }
0x64: {  	_ =	shalt  }
0x65: {  	_ =	shalt  }
0x66: {  	_ =	shalt  }
0x67: {  	_ =	shalt  }
0x68: {  	_ =	shalt  }
0x69: {  	_ =	shalt  }
0x6a: {  	_ =	shalt  }
0x6b: {  	_ =	shalt  }
0x6c: {  	_ =	shalt  }
0x6d: {  	_ =	shalt  }
0x6e: {  	_ =	shalt  }
0x6f: {  	_ =	shalt  }
0x70: {  	_ =	shalt  }
0x71: {  	_ =	shalt  }
0x72: {  	_ =	shalt  }
0x73: {  	_ =	shalt  }
0x74: {  	_ =	shalt  }
0x75: {  	_ =	shalt  }
0x76: {  	_ =	shalt  }
0x77: {  	_ =	shalt  }
0x78: {  	_ =	shalt  }
0x79: {  	_ =	shalt  }
0x7a: {  	_ =	shalt  }
0x7b: {  	_ =	shalt  }
0x7c: {  	_ =	shalt  }
0x7d: {  	_ =	shalt  }
0x7e: {  	_ =	shalt  }
0x7f: {  	_ =	shalt  }
0x80: {  	_ =	shalt  }
0x81: {  	_ =	shalt  }
0x82: {  	_ =	shalt  }
0x83: {  	_ =	shalt  }
0x84: {  	_ =	shalt  }
0x85: {  	_ =	shalt  }
0x86: {  	_ =	shalt  }
0x87: {  	_ =	shalt  }
.Lfunc_end0:
.L_simem_size_0:
called_computation_lowered:
.L_overlay_start_0:
0x88: {  	s2 =	sld [smem:$0x3FD9]  }
0x89: {  	s3 =	sld [smem:$0x3FFE];
	_ =	sdelay $0x1  }
0x8a: {  	s1 =	srdreg.scid  }
0x8b: {  	s0 =	sand.u32 $0x1, s1  }
0x8c: {  	s14 =	sshll.u32 s0, $0xA;
	s2 =	sadd.s32 s3, s2  }
0x8d: {  	s2 =	sadd.s32 s2, s14  }
0x8e: {  	[smem:$0x3FB2] =	sst s2  }
0x8f: {  	_ = 	snop  }
0x90: {  	s2 =	sld [smem:$0x3FD0];
	_ =	sdelay $0x2  }
0x91: {  	s15 =	simm.s32 $0xA;
	s4 =	simm.s32 $0x10  }
0x92: {  	[smem:s4], [sflag:s15] =	dma.local [hbm:s2], $0x1  }
0x93: {  	_ =	swait.eq [sflag:s15], $0x1  }
0x94: {  	[sflag:s15] =	ssyncset.done $0x0  }
0x95: {  	[sflag:s15] =	ssyncadd.s32 $0xFFFFFFFF  }
0x96: {  	s16 =	sld [smem:$0x10];
	(tm) =	ssettm $0x1  }
0x97: {  	s17 =	sld [smem:$0x3FFB];
	_ =	sdelay $0x3  }
0x98: {  	_ =	strace s17  }
0x99: {  	s3 =	sld [smem:$0x3FFC];
	_ =	sdelay $0x3  }
0x9a: {  	_ =	strace s3  }
0x9b: {  	s3 =	sld [smem:$0x3FFD];
	_ =	sdelay $0x3  }
0x9c: {  	_ =	strace s3  }
0x9d: {  	_ =	strace $0x8FFFFFFF  }
0x9e: {  	s18 =	sld [smem:$0x3FDB];
	_ =	sdelay $0x1  }
0x9f: {  	s19 =	simm.s32 $_scs_section_size  }
0xa0: {  	s5 =	simm.s32 $_size__tile_overlayer_lowered;
	s6 =	simm.s32 $_tile_overlayer_lowered  }
0xa1: {  	s22 =	simm.s32 $0x1BFF;
	s21 =	sshll.u32 s6, $0x1;
	s3 =	sadd.s32 s19, s18  }
0xa2: {  	s7 =	simm.s32 $0x0;
	s20 =	sshll.u32 s5, $0x1;
	s5 =	sadd.s32 s21, s3  }
0xa3: {  	[timem:s7], [sflag:s22] =	dma.local [hbm:s5], s20  }
0xa4: {  	_ =	swait.ge [sflag:s22], s20  }
0xa5: {  	s4 =	ssub.s32 $0x0, s20;
	[sflag:s22] =	ssyncset.done $0x0  }
0xa6: {  	[sflag:s22] =	ssyncadd.s32 s4;
	_ =	sdelay $0x1  }
0xa7: {  	s23 =	simm.s32 $0x1B8B  }
0xa8: {  	_ =	swait.ge [sflag:s23], $0x1  }
0xa9: {  	[sflag:s23] =	ssyncset.done $0x0  }
0xaa: {  	s25 =	simm.s32 $0x1B8E;
	s24 =	sld [smem:$0x3FFE];
	[sflag:s23] =	ssyncadd.s32 $0xFFFFFFFF  }
0xab: {  	s26 =	simm.s32 $execute0_lowered;
	[smem:$0x3FD2] =	sst s25  }
0xac: {  	s5 =	sshll.u32 s26, $0x1;
	_ =	strace $0x80000046;
	[dreg:$0x1] =	wrdreg $0xFFFFFFFF  }
0xad: {  	s28 =	simm.s32 $_size_execute0_lowered;
	s3 =	sadd.s32 s3, s5;
	[dreg:$0x0] =	wrdreg $0x0  }
0xae: {  	s5 =	sshll.u32 s28, $0x1;
	[dreg:$0x2] =	wrdreg s3  }
0xaf: {  	[dreg:$0x3] =	wrdreg s5  }
0xb0: {  	[dreg:$0x4] =	wrdreg $0xC0  }
0xb1: {  	_ =	task [dreg:s7], $0x5FFFF  }
0xb2: {  	[dreg:$0x1] =	wrdreg $0xFFFFFFFF  }
0xb3: {  	[dreg:$0x0] =	wrdreg $0x60  }
0xb4: {  	[dreg:$0x2] =	wrdreg s24  }
0xb5: {  	[dreg:$0x3] =	wrdreg s16  }
0xb6: {  	[dreg:$0x4] =	wrdreg $0x9  }
0xb7: {  	_ =	task.clear_ibuf [dreg:s7], $0x5FFFF;
	_ =	strace $0x90000046  }
0xb8: {  	s29 =	simm.s32 $0x9;
	_ =	strace $0x80000048  }
0xb9: {  	_ =	swait.ge [sflag:s29], $0x1  }
0xba: {  	[sflag:s29] =	ssyncadd.s32 $0xFFFFFFFF  }
0xbb: {  	_ =	strace $0x90000048  }
0xbc: {  	_ =	sfence  }
0xbd: {  	s30 =	sld [smem:$0x0];
	_ =	sdelay $0x2  }
0xbe: {  	s31 =	sshll.u32 s1, $0xD;
	s1 =	sshrl.u32 s1, $0x2  }
0xbf: {  	s3 =	sand.u32 $0x4000, s31;
	s1 =	sadd.s32 s1, s30  }
0xc0: {  	s0 =	sor.u32 s3, s0;
	s1 =	sshll.u32 s1, $0x11  }
0xc1: {  	s0 =	sor.u32 s1, s0  }
0xc2: {  	s0 =	sadd.s32 $0x8F2B, s0  }
0xc3: {  	[sflag:s0] =	ssyncadd.remote.s32 $0x1  }
0xc4: {  	_ =	sfence.sel $0xFFFF  }
0xc5: {  	[dreg:$0x0] =	wrdreg $0xFFFFFFFF;
	(pc) =	sbr.abs _section_cstart, $3  }
0xc6: {  	[dreg:$0x1] =	wrdreg $0xFFFFFFFF  }
0xc7: {  	_ =	task.clear_ibuf [dreg:s7], $0x2FFFF;
	_ =	strace $0x9FFFFFFF  }
0xc8: {  	(tm) =	ssettm $0x7FFFFFFF  }
0xc9: {  	_ =	shalt  }
tec
execute0_lowered:
.L_overlay_start_1:
0x0: {  	(tag) =	ssettag $0x1  }
0x1: {  	s0 =	srdreg.scid;
	s2 =	rddreg [dreg:$0x0]  }
0x2: {  	s3 =	rddreg [dreg:$0x1];
	s1 =	stileid.u32  }
0x3: {  	s7 =	simm.s32 $0x2;
	s9 =	simm.s32 $0x3;
	s0 =	sshll.u32 s0, $0x4  }
0x4: {  	s14 =	simm.s32 $0x0;
	s10 =	simm.s32 $0x308;
	s4 =	sand.u32 $0x10, s0  }
.Ltmp0:
0x5: {  	s0 =	rddreg [dreg:$0x2];
	s5 =	sor.u32 s1, s4;
	(pc) =	sbr.rel .LBB2_1-.Ltmp0, $4  }
0x6: {  	_ =	strace $0x80000047;
	s4 =	simm.s32 $0x1;
	s5 =	smul.u32 $0x188, s5  }
0x7: {  	s11 =	simm.s32 $0x18710;
	s12 =	simm.s32 $0x0;
	[sflag:s4] =	ssyncpa.u1 $0x0  }
0x8: {  	s6 =	sadd.s32 $0x51000, s2;
	[sflag:s7] =	ssyncpa.u1 $0x0;
	s8 =	sadd.s32 $0x188, s5  }
0x9: {  	vm0 =	vmmov $0xff;
	vm1 =	vcmask $0x3F20;
	[sflag:s9] =	ssyncpa.u1 $0x0;
	s9 =	simm.s32 $0x188;
	s13 =	smov.u32 s5  }
.LBB2_10:
0xa: {  	s14 =	sshrl.u32 s13, $0x3  }
0xb: {  	s15 =	sand.u32 $0x7, s13;
	s14 =	sadd.s32 s3, s14  }
0xc: {  	[tilespmem:s9], [sflag:$0x2] =	stream.linear.gather [hbm4b:s14+s15], $0x188, $0x38;
	[tilespmem:$0x18B10] =	vst v63  }
.LBB2_8:
0xd: {  	s14 =	sadd.s32 $0x188, s13  }
0xe: {  	s15 =	smov.u32 s5;
	p0 =	slt.s32 s14, s8  }
0xf: {  	s15 =	smov.u32 @p0 s14  }
0x10: {  	s12 =	sadd.s32 $0x1, s12;
	s14 =	smov.u32 s13;
	s13 =	smov.u32 s15  }
.LBB2_1:
0x11: {  	p0 =	seq.s32 s12, $0x0  }
.Ltmp1:
0x12: {  	_ = 	snop;
	(pc) =	sbr.rel @p0 .LBB2_10-.Ltmp1, $1  }
0x13: {  	_ =	sdelay $0x3  }
0x14: {  	p0 =	seq.s32 s12, $0x1  }
.Ltmp2:
0x15: {  	_ = 	snop;
	(pc) =	sbr.rel @!p0 .LBB2_9-.Ltmp2, $1  }
0x16: {  	_ =	sdelay $0x3  }
0x17: {  	_ =	swait.ge [sflag:s7], $0x188  }
0x18: {  	[sflag:s7] =	ssyncset.done $0x0  }
0x19: {  	s15 =	simm.s32 $0x0;
	[sflag:s7] =	ssyncadd.s32 $0xFFFFFE78  }
0x1a: {  	v0 =	vld.msk [tilespmem:s15+$0x188 ss:$0x1], $0xffff;
	_ =	sdelay $0x4  }
0x1b: {  	vm2 =	vgt.s32 v0, $0x0  }
0x1c: {  	v0 =	vnsel vm2, $0x0, v0  }
0x1d: {  	v0 =	vmin.u32 v0, $0x1FFF  }
0x1e: {  	v0 =	vshll.u32 v0, $0x4;
	_ =	sdelay $0x3  }
0x1f: {  	s15 =	simm.s32 $0xC710  }
0x20: {  	[tilespmem:s15], [sflag:$0x1] =	stream.indirect_vreg.gather [hbm:s2], $0x80, v0, vm0, $0x38;
	[tilespmem:$0x18B10] =	vst v63  }
0x21: {  	s16 =	simm.s32 $0xCB10;
	s31 =	simm.s32 $0x10  }
0x22: {  	[tilespmem:s16], [sflag:$0x1] =	stream.indirect_vreg.gather [hbm:s2], $0x80, v0, vm1, $0x38;
	[tilespmem:$0x18B10] =	vst v63  }
0x23: {  	s16 =	simm.s32 $0x80;
	v0 =	vld.msk [tilespmem:s31+$0x188 ss:$0x1], $0xffff  }
.LBB2_4:
0x24: {  	p0 =	sne.s32 s16, $0x5C0;
	_ =	sdelay $0x4  }
0x25: {  	vm2 =	vgt.s32 v0, $0x0  }
0x26: {  	v0 =	vnsel vm2, $0x0, v0  }
0x27: {  	v0 =	vmin.u32 v0, $0x1FFF  }
0x28: {  	v0 =	vshll.u32 v0, $0x4;
	_ =	sdelay $0x3  }
.Ltmp3:
0x29: {  	s15 =	sadd.s32 $0x800, s15;
	(pc) =	sbr.rel @p0 .LBB2_4-.Ltmp3, $4  }
0x2a: {  	[tilespmem:s15], [sflag:$0x1] =	stream.indirect_vreg.gather [hbm:s2], $0x80, v0, vm0, $0x38;
	[tilespmem:$0x18B10] =	vst v63  }
0x2b: {  	s17 =	sshra.s32 s16, $0x2;
	s18 =	sadd.s32 $0x400, s15  }
0x2c: {  	[tilespmem:s18], [sflag:$0x1] =	stream.indirect_vreg.gather [hbm:s2], $0x80, v0, vm1, $0x38;
	[tilespmem:$0x18B10] =	vst v63  }
0x2d: {  	s16 =	sadd.s32 $0x40, s16;
	v0 =	vld.msk [tilespmem:s17+$0x188 ss:$0x1], $0xffff  }
0x2e: {  	_ =	sdelay $0x3  }
0x2f: {  	vm2 =	vgt.s32 v0, $0x0  }
0x30: {  	v0 =	vnsel vm2, $0x0, v0  }
0x31: {  	v0 =	vmin.u32 v0, $0x1FFF  }
0x32: {  	v0 =	vshll.u32 v0, $0x4;
	_ =	sdelay $0x3  }
0x33: {  	s15 =	sadd.s32 $0x800, s15  }
0x34: {  	[tilespmem:s15], [sflag:$0x1] =	stream.indirect_vreg.gather [hbm:s2], $0x80, v0, vm0, $0x38;
	[tilespmem:$0x18B10] =	vst v63  }
0x35: {  	s15 =	sadd.s32 $0x400, s15  }
0x36: {  	[tilespmem:s15], [sflag:$0x1] =	stream.indirect_vreg.gather [hbm:s2], $0x80, v0, vm1, $0x38;
	[tilespmem:$0x18B10] =	vst v63  }
0x37: {  	v0 =	vld.msk [tilespmem:s10+$0x0 ss:$0x1], $0xff;
	_ =	sdelay $0x4  }
0x38: {  	vm2 =	vgt.s32 v0, $0x0  }
0x39: {  	v0 =	vnsel vm2, $0x0, v0  }
0x3a: {  	v0 =	vmin.u32 v0, $0x1FFF  }
0x3b: {  	v0 =	vshll.u32 v0, $0x4;
	_ =	sdelay $0x4  }
0x3c: {  	[tilespmem:s11], [sflag:$0x1] =	stream.indirect_vreg.gather [hbm:s2], $0x80, v0, vm0, $0x38;
	[tilespmem:$0x18B10] =	vst v63  }
0x3d: {  	s14 =	sshll.u32 s14, $0x4;
	s16 =	simm.s32 $0x80;
	_ =	swait.ge [sflag:s4], $0xC400  }
0x3e: {  	s17 =	simm.s32 $0xCB10;
	s14 =	sadd.s32 s14, s6;
	[sflag:s4] =	ssyncset.done $0x0  }
0x3f: {  	s18 =	sadd.s32 $0x0, s14;
	s15 =	simm.s32 $0xC710;
	[sflag:s4] =	ssyncadd.s32 $0xFFFF3C00  }
.LBB2_6:
0x40: {  	[hbm:s18] =	stream.linear.scatter [tilespmem:s15], [sflag:$0x3], $0x400, $0x38;
	[tilespmem:$0x18B10] =	vst v63  }
0x41: {  	s18 =	smov.u32 s16;
	s15 =	smov.u32 s17;
	p0 =	seq.s32 s16, $0x1800  }
.Ltmp4:
0x42: {  	s16 =	sadd.s32 $0x80, s16;
	(pc) =	sbr.rel @!p0 .LBB2_6-.Ltmp4, $2  }
0x43: {  	_ =	sdelay $0x2  }
0x44: {  	s17 =	sadd.s32 $0x400, s17;
	s18 =	sadd.s32 s18, s14  }
.Ltmp5:
0x45: {  	(pc) =	sbr.rel .LBB2_8-.Ltmp5, $2  }
0x46: {  	_ =	sdelay $0x2  }
0x47: {  	[hbm:s18] =	stream.linear.scatter [tilespmem:s15], [sflag:$0x3], $0x400, $0x38;
	[tilespmem:$0x18B10] =	vst v63  }
.LBB2_9:
0x48: {  	s2 =	simm.s32 $0x3  }
0x49: {  	_ =	swait.ge [sflag:s2], $0xC400  }
0x4a: {  	[sflag:s2] =	ssyncset.done $0x0  }
0x4b: {  	[sflag:s2] =	ssyncadd.s32 $0xFFFF3C00  }
0x4c: {  	_ =	sfence.sel $0x180000  }
0x4d: {  	s3 =	simm.s32 $0x2;
	[bflag:$0x0] =	sbarrier.arrive $0xFFFF  }
0x4e: {  	[sflag:s3] =	ssyncpa.u1 $0x1  }
0x4f: {  	s31 =	simm.s32 $0x1;
	[sflag:s2] =	ssyncpa.u1 $0x1  }
0x50: {  	[sflag:s31] =	ssyncpa.u1 $0x1  }
0x51: {  	p0 =	sne.s32 s1, $0x0;
	_ =	strace $0x90000047  }
0x52: {  	s0 =	sadd.s32 @!p0 $0x100000, s0;
	[bflag:$0x2] =	sbarrier.arrive $0xFFFF  }
0x53: {  	[sflag:s0] =	ssyncadd.tile.s32 @!p0 $0x1;
	_ =	shalt  }
.Lfunc_end2:
_tile_overlayer_lowered:
.L_overlay_start_2:
0x54: {  	(tag) =	ssettag $0x2  }
0x55: {  	s0 =	rddreg [dreg:$0x0];
	s2 =	stileid.u32  }
0x56: {  	s1 =	rddreg [dreg:$0x1];
	p0 =	sne.s32 s2, $0x0  }
0x57: {  	s3 =	rddreg [dreg:$0x2];
	[bflag:$0x3] =	sbarrier.arrive $0xFFFF;
	s2 =	simm.s32 @!p0 $0x1C01  }
0x58: {  	[timem:s3], [sflag:s2] =	dma.local @!p0 [hbm:s0], s1  }
0x59: {  	s0 =	simm.s32 @!p0 $0x1  }
0x5a: {  	_ =	swait.ge @!p0 [sflag:s0], s1  }
0x5b: {  	s1 =	ssub.s32 @!p0 $0x0, s1;
	[sflag:s0] =	ssyncset.done @!p0 $0x0  }
0x5c: {  	[sflag:s0] =	ssyncadd.s32 @!p0 s1  }
0x5d: {  	[bflag:$0x3] =	sbarrier.arrive $0xFFFF  }
0x5e: {  	_ =	shalt  }

</sc_bundles>
